<compile_context>
chip_gen: v7x
topology: tpu7x:2x2x1
jax: 0.10.2.dev20260603
libtpu: 0.0.44.dev20260713+nightly
codegen_flags: <defaults>
</compile_context>

<pallas_src>
import functools

import jax
import jax.numpy as jnp
from jax import lax
from jax.experimental import pallas as pl
from jax.experimental.pallas import tpu as pltpu
from jax.experimental.pallas import tpu_sc as plsc

_NUM_CORES = 2
_NUM_SUBCORES = 16
_NW = _NUM_CORES * _NUM_SUBCORES
_D = 128
_CHUNK = 128
_NBUF = 7
_DEPTH = 5


@functools.lru_cache(maxsize=None)
def _make_lookup(n_tokens: int):
    assert n_tokens % (_NW * _CHUNK) == 0
    idx_per_w = n_tokens // _NW
    nk = idx_per_w // _CHUNK

    mesh = plsc.VectorSubcoreMesh(core_axis_name="c", subcore_axis_name="s")

    @functools.partial(
        pl.kernel,
        mesh=mesh,
        out_type=jax.ShapeDtypeStruct((n_tokens, _D), jnp.float32),
        scratch_types=[
            pltpu.VMEM((idx_per_w,), jnp.int32),
            pltpu.VMEM((_NBUF, _CHUNK, _D), jnp.float32),
            pltpu.SemaphoreType.DMA((_NBUF,)),
            pltpu.SemaphoreType.DMA((2,)),
        ],
    )
    def lookup(idx_hbm, table_hbm, out_hbm, idx_v, rows_v, gsem, ssem):
        wid = lax.axis_index("s") * _NUM_CORES + lax.axis_index("c")
        base = wid * idx_per_w
        pltpu.sync_copy(idx_hbm.at[pl.ds(base, idx_per_w)], idx_v)

        def gather(k, slot):
            pltpu.async_copy(
                table_hbm.at[idx_v.at[pl.ds(k * _CHUNK, _CHUNK)]],
                rows_v.at[slot],
                gsem.at[slot],
            )

        for j in range(_DEPTH):
            gather(j, j)

        def step(k, carry):
            slot = k % _NBUF

            @pl.when(k >= 2)
            def _drain_prev():
                pltpu.make_async_copy(
                    rows_v.at[0], out_hbm.at[pl.ds(0, _CHUNK)], ssem.at[k % 2]
                ).wait()

            nxt = k + _DEPTH

            @pl.when(nxt < nk)
            def _issue_next():
                gather(nxt, nxt % _NBUF)

            pltpu.make_async_copy(
                table_hbm.at[idx_v.at[pl.ds(k * _CHUNK, _CHUNK)]],
                rows_v.at[slot],
                gsem.at[slot],
            ).wait()
            pltpu.async_copy(
                rows_v.at[slot],
                out_hbm.at[pl.ds(base + k * _CHUNK, _CHUNK)],
                ssem.at[k % 2],
            )
            return carry

        lax.fori_loop(0, nk, step, 0)

        for j in range(2):
            pltpu.make_async_copy(
                rows_v.at[0], out_hbm.at[pl.ds(0, _CHUNK)], ssem.at[j]
            ).wait()

    return lookup


def kernel(token_ids, embed_mat):
    b, s = token_ids.shape
    n = b * s
    idx = token_ids.astype(jnp.int32).T.reshape(-1)
    out = _make_lookup(n)(idx, embed_mat)
    return out.reshape(s, b, _D).transpose(1, 0, 2)

# --- scband reference (transcript-rebuilt; emitter-appended) ---
"""Pipeline reference for scband-embedding-75050258530694 (READ-ONLY COPY).

The authoritative reference and input builder live on the scoring server;
editing this copy changes nothing except your own understanding.
"""

import jax, jax.numpy as jnp
import numpy as np

NUM_EMBEDDINGS = 100000
EMBEDDING_DIM = 128

def setup_inputs(seed: int = 0) -> dict:
    key = jax.random.key(seed)
    k_idx, k_w = jax.random.split(key)
    token_ids = jax.random.randint(k_idx, (4096, 50), 0, NUM_EMBEDDINGS, dtype=jnp.int64 if jax.config.jax_enable_x64 else jnp.int32)
    # truncated normal init: mean=0, std=1, truncated at +/-3 std
    embed_mat = jax.random.truncated_normal(k_w, -3.0, 3.0, (NUM_EMBEDDINGS, EMBEDDING_DIM), dtype=jnp.float32)
    return {"token_ids": token_ids, "embed_mat": embed_mat}

def reference(token_ids, embed_mat):
    # Faithful translation of: return self.embed_mat[token_ids]
    return jnp.take(embed_mat, token_ids, axis=0)

if __name__ == "__main__":
    import jax
    _d = setup_inputs()
    print(jax.jit(kernel)(*tuple(_d.values())))

</pallas_src>

<mosaic_0001>
#map = affine_map<(d0, d1) -> (0)>
#map1 = affine_map<(d0, d1) -> (0, 0)>
module attributes {stable_mosaic.version = 14 : i64} {
  func.func @lookup(%arg0: i32, %arg1: i32, %arg2: memref<204800xi32, #tpu.memory_space<hbm>>, %arg3: memref<100000x128xf32, #tpu.memory_space<hbm>>, %arg4: memref<204800x128xf32, #tpu.memory_space<hbm>>, %arg5: memref<6400xi32, #tpu.memory_space<vmem>>, %arg6: memref<7x128x128xf32, #tpu.memory_space<vmem>>, %arg7: memref<7x!tpu.dma_semaphore, #tpu.memory_space<semaphore_mem>>, %arg8: memref<2x!tpu.dma_semaphore, #tpu.memory_space<semaphore_mem>>) attributes {dimension_semantics = [#tpu.dimension_semantics<core_parallel>, #tpu.dimension_semantics<subcore_parallel>], iteration_bounds = array<i64: 2, 16>, scalar_prefetch = 0 : i64, scratch_operands = 4 : i64, tpu.core_type = #tpu.core_type<sc_vector_subcore>, window_params = [{transform_indices = #map}, {transform_indices = #map1}, {transform_indices = #map1}]} {
    %mul3A = arith.constant 2 : i32
    %mul3A_0 = arith.muli %arg1, %mul3A : i32
    %add3A = arith.addi %mul3A_0, %arg0 : i32
    %mul3A_1 = arith.constant 6400 : i32
    %mul3A_2 = arith.muli %add3A, %mul3A_1 : i32
    "tpu.region"() ({
      %run_scoped3A = tpu.sem_alloc : memref<!tpu.dma_semaphore, #tpu.memory_space<semaphore_mem>>
      %dma_start3A_107 = tpu.memref_slice %arg2[%mul3A_2] : memref<204800xi32, #tpu.memory_space<hbm>> -> memref<6400xi32, #tpu.memory_space<hbm>>
      %dma_start3A_108 = tpu.memref_slice %arg2[%mul3A_2] : memref<204800xi32, #tpu.memory_space<hbm>> -> memref<6400xi32, #tpu.memory_space<hbm>>
      tpu.enqueue_dma source(%dma_start3A_108 : memref<6400xi32, #tpu.memory_space<hbm>>) target(%arg5 : memref<6400xi32, #tpu.memory_space<vmem>>) target_semaphore(%run_scoped3A : memref<!tpu.dma_semaphore, #tpu.memory_space<semaphore_mem>>)
      %dma_wait3A_109 = tpu.memref_slice %arg2[%mul3A_2] : memref<204800xi32, #tpu.memory_space<hbm>> -> memref<6400xi32, #tpu.memory_space<hbm>>
      %dma_wait3A_110 = tpu.memref_slice %arg2[%mul3A_2] : memref<204800xi32, #tpu.memory_space<hbm>> -> memref<6400xi32, #tpu.memory_space<hbm>>
      tpu.wait_dma2 semaphore(%run_scoped3A : memref<!tpu.dma_semaphore, #tpu.memory_space<semaphore_mem>>) src(%dma_wait3A_110 : memref<6400xi32, #tpu.memory_space<hbm>>) dst(%arg5 : memref<6400xi32, #tpu.memory_space<vmem>>)
      tpu.yield
    }) : () -> ()
    %dma_start3A = arith.constant 0 : i32
    %dma_start3A_3 = arith.constant 0 : i32
    %dma_start3A_4 = arith.constant 0 : i32
    %dma_start3A_5 = arith.constant 0 : i32
    %dma_start3A_6 = tpu.memref_slice %arg6[%dma_start3A, %dma_start3A_4, %dma_start3A_5] : memref<7x128x128xf32, #tpu.memory_space<vmem>> -> memref<1x128x128xf32, #tpu.memory_space<vmem>>
    %dma_start3A_7 = tpu.memref_squeeze %dma_start3A_6 : memref<1x128x128xf32, #tpu.memory_space<vmem>> -> memref<128x128xf32, #tpu.memory_space<vmem>>
    %dma_start3A_8 = arith.constant 0 : i32
    %dma_start3A_9 = tpu.memref_slice %arg5[%dma_start3A_8] : memref<6400xi32, #tpu.memory_space<vmem>> -> memref<128xi32, #tpu.memory_space<vmem>>
    %dma_start3A_10 = arith.constant 0 : i32
    %dma_start3A_11 = arith.constant 0 : i32
    %dma_start3A_12 = tpu.memref_slice %arg3[%dma_start3A_10, %dma_start3A_11] : memref<100000x128xf32, #tpu.memory_space<hbm>> -> memref<100000x128xf32, #tpu.memory_space<hbm>>
    %dma_start3A_13 = tpu.memref_slice %arg7[%dma_start3A_3] : memref<7x!tpu.dma_semaphore, #tpu.memory_space<semaphore_mem>> -> memref<1x!tpu.dma_semaphore, #tpu.memory_space<semaphore_mem>>
    %dma_start3A_14 = tpu.memref_squeeze %dma_start3A_13 : memref<1x!tpu.dma_semaphore, #tpu.memory_space<semaphore_mem>> -> memref<!tpu.dma_semaphore, #tpu.memory_space<semaphore_mem>>
    tpu.enqueue_indirect_dma source(%dma_start3A_12 : memref<100000x128xf32, #tpu.memory_space<hbm>>) target(%dma_start3A_7 : memref<128x128xf32, #tpu.memory_space<vmem>>) offsets(%dma_start3A_9 : memref<128xi32, #tpu.memory_space<vmem>>) semaphore(%dma_start3A_14 : memref<!tpu.dma_semaphore, #tpu.memory_space<semaphore_mem>>)
    %dma_start3A_15 = arith.constant 1 : i32
    %dma_start3A_16 = arith.constant 1 : i32
    %dma_start3A_17 = arith.constant 0 : i32
    %dma_start3A_18 = arith.constant 0 : i32
    %dma_start3A_19 = tpu.memref_slice %arg6[%dma_start3A_15, %dma_start3A_17, %dma_start3A_18] : memref<7x128x128xf32, #tpu.memory_space<vmem>> -> memref<1x128x128xf32, #tpu.memory_space<vmem>>
    %dma_start3A_20 = tpu.memref_squeeze %dma_start3A_19 : memref<1x128x128xf32, #tpu.memory_space<vmem>> -> memref<128x128xf32, #tpu.memory_space<vmem>>
    %dma_start3A_21 = arith.constant 128 : i32
    %dma_start3A_22 = tpu.memref_slice %arg5[%dma_start3A_21] : memref<6400xi32, #tpu.memory_space<vmem>> -> memref<128xi32, #tpu.memory_space<vmem>>
    %dma_start3A_23 = arith.constant 0 : i32
    %dma_start3A_24 = arith.constant 0 : i32
    %dma_start3A_25 = tpu.memref_slice %arg3[%dma_start3A_23, %dma_start3A_24] : memref<100000x128xf32, #tpu.memory_space<hbm>> -> memref<100000x128xf32, #tpu.memory_space<hbm>>
    %dma_start3A_26 = tpu.memref_slice %arg7[%dma_start3A_16] : memref<7x!tpu.dma_semaphore, #tpu.memory_space<semaphore_mem>> -> memref<1x!tpu.dma_semaphore, #tpu.memory_space<semaphore_mem>>
    %dma_start3A_27 = tpu.memref_squeeze %dma_start3A_26 : memref<1x!tpu.dma_semaphore, #tpu.memory_space<semaphore_mem>> -> memref<!tpu.dma_semaphore, #tpu.memory_space<semaphore_mem>>
    tpu.enqueue_indirect_dma source(%dma_start3A_25 : memref<100000x128xf32, #tpu.memory_space<hbm>>) target(%dma_start3A_20 : memref<128x128xf32, #tpu.memory_space<vmem>>) offsets(%dma_start3A_22 : memref<128xi32, #tpu.memory_space<vmem>>) semaphore(%dma_start3A_27 : memref<!tpu.dma_semaphore, #tpu.memory_space<semaphore_mem>>)
    %dma_start3A_28 = arith.constant 2 : i32
    %dma_start3A_29 = arith.constant 2 : i32
    %dma_start3A_30 = arith.constant 0 : i32
    %dma_start3A_31 = arith.constant 0 : i32
    %dma_start3A_32 = tpu.memref_slice %arg6[%dma_start3A_28, %dma_start3A_30, %dma_start3A_31] : memref<7x128x128xf32, #tpu.memory_space<vmem>> -> memref<1x128x128xf32, #tpu.memory_space<vmem>>
    %dma_start3A_33 = tpu.memref_squeeze %dma_start3A_32 : memref<1x128x128xf32, #tpu.memory_space<vmem>> -> memref<128x128xf32, #tpu.memory_space<vmem>>
    %dma_start3A_34 = arith.constant 256 : i32
    %dma_start3A_35 = tpu.memref_slice %arg5[%dma_start3A_34] : memref<6400xi32, #tpu.memory_space<vmem>> -> memref<128xi32, #tpu.memory_space<vmem>>
    %dma_start3A_36 = arith.constant 0 : i32
    %dma_start3A_37 = arith.constant 0 : i32
    %dma_start3A_38 = tpu.memref_slice %arg3[%dma_start3A_36, %dma_start3A_37] : memref<100000x128xf32, #tpu.memory_space<hbm>> -> memref<100000x128xf32, #tpu.memory_space<hbm>>
    %dma_start3A_39 = tpu.memref_slice %arg7[%dma_start3A_29] : memref<7x!tpu.dma_semaphore, #tpu.memory_space<semaphore_mem>> -> memref<1x!tpu.dma_semaphore, #tpu.memory_space<semaphore_mem>>
    %dma_start3A_40 = tpu.memref_squeeze %dma_start3A_39 : memref<1x!tpu.dma_semaphore, #tpu.memory_space<semaphore_mem>> -> memref<!tpu.dma_semaphore, #tpu.memory_space<semaphore_mem>>
    tpu.enqueue_indirect_dma source(%dma_start3A_38 : memref<100000x128xf32, #tpu.memory_space<hbm>>) target(%dma_start3A_33 : memref<128x128xf32, #tpu.memory_space<vmem>>) offsets(%dma_start3A_35 : memref<128xi32, #tpu.memory_space<vmem>>) semaphore(%dma_start3A_40 : memref<!tpu.dma_semaphore, #tpu.memory_space<semaphore_mem>>)
    %dma_start3A_41 = arith.constant 3 : i32
    %dma_start3A_42 = arith.constant 3 : i32
    %dma_start3A_43 = arith.constant 0 : i32
    %dma_start3A_44 = arith.constant 0 : i32
    %dma_start3A_45 = tpu.memref_slice %arg6[%dma_start3A_41, %dma_start3A_43, %dma_start3A_44] : memref<7x128x128xf32, #tpu.memory_space<vmem>> -> memref<1x128x128xf32, #tpu.memory_space<vmem>>
    %dma_start3A_46 = tpu.memref_squeeze %dma_start3A_45 : memref<1x128x128xf32, #tpu.memory_space<vmem>> -> memref<128x128xf32, #tpu.memory_space<vmem>>
    %dma_start3A_47 = arith.constant 384 : i32
    %dma_start3A_48 = tpu.memref_slice %arg5[%dma_start3A_47] : memref<6400xi32, #tpu.memory_space<vmem>> -> memref<128xi32, #tpu.memory_space<vmem>>
    %dma_start3A_49 = arith.constant 0 : i32
    %dma_start3A_50 = arith.constant 0 : i32
    %dma_start3A_51 = tpu.memref_slice %arg3[%dma_start3A_49, %dma_start3A_50] : memref<100000x128xf32, #tpu.memory_space<hbm>> -> memref<100000x128xf32, #tpu.memory_space<hbm>>
    %dma_start3A_52 = tpu.memref_slice %arg7[%dma_start3A_42] : memref<7x!tpu.dma_semaphore, #tpu.memory_space<semaphore_mem>> -> memref<1x!tpu.dma_semaphore, #tpu.memory_space<semaphore_mem>>
    %dma_start3A_53 = tpu.memref_squeeze %dma_start3A_52 : memref<1x!tpu.dma_semaphore, #tpu.memory_space<semaphore_mem>> -> memref<!tpu.dma_semaphore, #tpu.memory_space<semaphore_mem>>
    tpu.enqueue_indirect_dma source(%dma_start3A_51 : memref<100000x128xf32, #tpu.memory_space<hbm>>) target(%dma_start3A_46 : memref<128x128xf32, #tpu.memory_space<vmem>>) offsets(%dma_start3A_48 : memref<128xi32, #tpu.memory_space<vmem>>) semaphore(%dma_start3A_53 : memref<!tpu.dma_semaphore, #tpu.memory_space<semaphore_mem>>)
    %dma_start3A_54 = arith.constant 4 : i32
    %dma_start3A_55 = arith.constant 4 : i32
    %dma_start3A_56 = arith.constant 0 : i32
    %dma_start3A_57 = arith.constant 0 : i32
    %dma_start3A_58 = tpu.memref_slice %arg6[%dma_start3A_54, %dma_start3A_56, %dma_start3A_57] : memref<7x128x128xf32, #tpu.memory_space<vmem>> -> memref<1x128x128xf32, #tpu.memory_space<vmem>>
    %dma_start3A_59 = tpu.memref_squeeze %dma_start3A_58 : memref<1x128x128xf32, #tpu.memory_space<vmem>> -> memref<128x128xf32, #tpu.memory_space<vmem>>
    %dma_start3A_60 = arith.constant 512 : i32
    %dma_start3A_61 = tpu.memref_slice %arg5[%dma_start3A_60] : memref<6400xi32, #tpu.memory_space<vmem>> -> memref<128xi32, #tpu.memory_space<vmem>>
    %dma_start3A_62 = arith.constant 0 : i32
    %dma_start3A_63 = arith.constant 0 : i32
    %dma_start3A_64 = tpu.memref_slice %arg3[%dma_start3A_62, %dma_start3A_63] : memref<100000x128xf32, #tpu.memory_space<hbm>> -> memref<100000x128xf32, #tpu.memory_space<hbm>>
    %dma_start3A_65 = tpu.memref_slice %arg7[%dma_start3A_55] : memref<7x!tpu.dma_semaphore, #tpu.memory_space<semaphore_mem>> -> memref<1x!tpu.dma_semaphore, #tpu.memory_space<semaphore_mem>>
    %dma_start3A_66 = tpu.memref_squeeze %dma_start3A_65 : memref<1x!tpu.dma_semaphore, #tpu.memory_space<semaphore_mem>> -> memref<!tpu.dma_semaphore, #tpu.memory_space<semaphore_mem>>
    tpu.enqueue_indirect_dma source(%dma_start3A_64 : memref<100000x128xf32, #tpu.memory_space<hbm>>) target(%dma_start3A_59 : memref<128x128xf32, #tpu.memory_space<vmem>>) offsets(%dma_start3A_61 : memref<128xi32, #tpu.memory_space<vmem>>) semaphore(%dma_start3A_66 : memref<!tpu.dma_semaphore, #tpu.memory_space<semaphore_mem>>)
    %scan3A = arith.constant 0 : i32
    %scan3A_67 = arith.constant 0 : i32
    %scan3A_68 = arith.constant 50 : i32
    %scan3A_69 = arith.addi %scan3A_67, %scan3A_68 : i32
    %scan3A_70 = arith.constant 1 : i32
    scf.for %scan3A_107 = %scan3A_67 to %scan3A_69 step %scan3A_70  : i32 {
      %jit3A = arith.constant 7 : i32
      %eq3A = arith.constant 0 : i32
      %eq3A_108 = arith.cmpi eq, %jit3A, %eq3A : i32
      %jit3A_109 = arith.constant 1 : i32
      %select_n3A = arith.select %eq3A_108, %jit3A_109, %jit3A : i32
      %rem3A = arith.remsi %scan3A_107, %select_n3A : i32
      %ne3A = arith.constant 0 : i32
      %ne3A_110 = arith.cmpi ne, %rem3A, %ne3A : i32
      %lt3A = arith.constant 0 : i32
      %lt3A_111 = arith.cmpi slt, %rem3A, %lt3A : i32
      %lt3A_112 = arith.constant 0 : i32
      %lt3A_113 = arith.cmpi slt, %select_n3A, %lt3A_112 : i32
      %ne3A_114 = arith.xori %lt3A_111, %lt3A_113 : i1
      %and3A = arith.andi %ne3A_114, %ne3A_110 : i1
      %add3A_115 = arith.addi %rem3A, %select_n3A : i32
      %select_n3A_116 = arith.select %and3A, %add3A_115, %rem3A : i32
      %ge3A = arith.constant 2 : i32
      %ge3A_117 = arith.cmpi sge, %scan3A_107, %ge3A : i32
      %convert_element_type3A = arith.extui %ge3A_117 : i1 to i32
      %cond3A = arith.constant 0 : i32
      %cond3A_118 = arith.cmpi ne, %convert_element_type3A, %cond3A : i32
      scf.if %cond3A_118 {
        %jit3A_171 = arith.constant 2 : i32
        %eq3A_172 = arith.constant 0 : i32
        %eq3A_173 = arith.cmpi eq, %jit3A_171, %eq3A_172 : i32
        %jit3A_174 = arith.constant 1 : i32
        %select_n3A_175 = arith.select %eq3A_173, %jit3A_174, %jit3A_171 : i32
        %rem3A_176 = arith.remsi %scan3A_107, %select_n3A_175 : i32
        %ne3A_177 = arith.constant 0 : i32
        %ne3A_178 = arith.cmpi ne, %rem3A_176, %ne3A_177 : i32
        %lt3A_179 = arith.constant 0 : i32
        %lt3A_180 = arith.cmpi slt, %rem3A_176, %lt3A_179 : i32
        %lt3A_181 = arith.constant 0 : i32
        %lt3A_182 = arith.cmpi slt, %select_n3A_175, %lt3A_181 : i32
        %ne3A_183 = arith.xori %lt3A_180, %lt3A_182 : i1
        %and3A_184 = arith.andi %ne3A_183, %ne3A_178 : i1
        %add3A_185 = arith.addi %rem3A_176, %select_n3A_175 : i32
        %select_n3A_186 = arith.select %and3A_184, %add3A_185, %rem3A_176 : i32
        %dma_wait3A_187 = arith.constant 0 : i32
        %dma_wait3A_188 = arith.constant 0 : i32
        %dma_wait3A_189 = arith.constant 0 : i32
        %dma_wait3A_190 = tpu.memref_slice %arg6[%dma_wait3A_187, %dma_wait3A_188, %dma_wait3A_189] : memref<7x128x128xf32, #tpu.memory_space<vmem>> -> memref<1x128x128xf32, #tpu.memory_space<vmem>>
        %dma_wait3A_191 = tpu.memref_squeeze %dma_wait3A_190 : memref<1x128x128xf32, #tpu.memory_space<vmem>> -> memref<128x128xf32, #tpu.memory_space<vmem>>
        %dma_wait3A_192 = arith.constant 0 : i32
        %dma_wait3A_193 = arith.constant 0 : i32
        %dma_wait3A_194 = tpu.memref_slice %arg4[%dma_wait3A_192, %dma_wait3A_193] : memref<204800x128xf32, #tpu.memory_space<hbm>> -> memref<128x128xf32, #tpu.memory_space<hbm>>
        %dma_wait3A_195 = tpu.memref_slice %arg8[%select_n3A_186] : memref<2x!tpu.dma_semaphore, #tpu.memory_space<semaphore_mem>> -> memref<1x!tpu.dma_semaphore, #tpu.memory_space<semaphore_mem>>
        %dma_wait3A_196 = tpu.memref_squeeze %dma_wait3A_195 : memref<1x!tpu.dma_semaphore, #tpu.memory_space<semaphore_mem>> -> memref<!tpu.dma_semaphore, #tpu.memory_space<semaphore_mem>>
        %dma_wait3A_197 = arith.constant 0 : i32
        %dma_wait3A_198 = arith.constant 0 : i32
        %dma_wait3A_199 = tpu.memref_slice %arg4[%dma_wait3A_197, %dma_wait3A_198] : memref<204800x128xf32, #tpu.memory_space<hbm>> -> memref<128x128xf32, #tpu.memory_space<hbm>>
        %dma_wait3A_200 = arith.constant 0 : i32
        %dma_wait3A_201 = arith.constant 0 : i32
        %dma_wait3A_202 = tpu.memref_slice %arg6[%dma_wait3A_187, %dma_wait3A_200, %dma_wait3A_201] : memref<7x128x128xf32, #tpu.memory_space<vmem>> -> memref<1x128x128xf32, #tpu.memory_space<vmem>>
        %dma_wait3A_203 = tpu.memref_squeeze %dma_wait3A_202 : memref<1x128x128xf32, #tpu.memory_space<vmem>> -> memref<128x128xf32, #tpu.memory_space<vmem>>
        tpu.wait_dma2 semaphore(%dma_wait3A_196 : memref<!tpu.dma_semaphore, #tpu.memory_space<semaphore_mem>>) src(%dma_wait3A_203 : memref<128x128xf32, #tpu.memory_space<vmem>>) dst(%dma_wait3A_199 : memref<128x128xf32, #tpu.memory_space<hbm>>)
      } else {
      }
      %add3A_119 = arith.constant 5 : i32
      %add3A_120 = arith.addi %scan3A_107, %add3A_119 : i32
      %lt3A_121 = arith.constant 50 : i32
      %lt3A_122 = arith.cmpi slt, %add3A_120, %lt3A_121 : i32
      %convert_element_type3A_123 = arith.extui %lt3A_122 : i1 to i32
      %cond3A_124 = arith.constant 0 : i32
      %cond3A_125 = arith.cmpi ne, %convert_element_type3A_123, %cond3A_124 : i32
      scf.if %cond3A_125 {
        %jit3A_171 = arith.constant 7 : i32
        %eq3A_172 = arith.constant 0 : i32
        %eq3A_173 = arith.cmpi eq, %jit3A_171, %eq3A_172 : i32
        %jit3A_174 = arith.constant 1 : i32
        %select_n3A_175 = arith.select %eq3A_173, %jit3A_174, %jit3A_171 : i32
        %rem3A_176 = arith.remsi %add3A_120, %select_n3A_175 : i32
        %ne3A_177 = arith.constant 0 : i32
        %ne3A_178 = arith.cmpi ne, %rem3A_176, %ne3A_177 : i32
        %lt3A_179 = arith.constant 0 : i32
        %lt3A_180 = arith.cmpi slt, %rem3A_176, %lt3A_179 : i32
        %lt3A_181 = arith.constant 0 : i32
        %lt3A_182 = arith.cmpi slt, %select_n3A_175, %lt3A_181 : i32
        %ne3A_183 = arith.xori %lt3A_180, %lt3A_182 : i1
        %and3A_184 = arith.andi %ne3A_183, %ne3A_178 : i1
        %add3A_185 = arith.addi %rem3A_176, %select_n3A_175 : i32
        %select_n3A_186 = arith.select %and3A_184, %add3A_185, %rem3A_176 : i32
        %mul3A_187 = arith.constant 128 : i32
        %mul3A_188 = arith.muli %add3A_120, %mul3A_187 : i32
        %dma_start3A_189 = arith.constant 0 : i32
        %dma_start3A_190 = arith.constant 0 : i32
        %dma_start3A_191 = tpu.memref_slice %arg6[%select_n3A_186, %dma_start3A_189, %dma_start3A_190] : memref<7x128x128xf32, #tpu.memory_space<vmem>> -> memref<1x128x128xf32, #tpu.memory_space<vmem>>
        %dma_start3A_192 = tpu.memref_squeeze %dma_start3A_191 : memref<1x128x128xf32, #tpu.memory_space<vmem>> -> memref<128x128xf32, #tpu.memory_space<vmem>>
        %dma_start3A_193 = tpu.memref_slice %arg5[%mul3A_188] : memref<6400xi32, #tpu.memory_space<vmem>> -> memref<128xi32, #tpu.memory_space<vmem>>
        %dma_start3A_194 = arith.constant 0 : i32
        %dma_start3A_195 = arith.constant 0 : i32
        %dma_start3A_196 = tpu.memref_slice %arg3[%dma_start3A_194, %dma_start3A_195] : memref<100000x128xf32, #tpu.memory_space<hbm>> -> memref<100000x128xf32, #tpu.memory_space<hbm>>
        %dma_start3A_197 = tpu.memref_slice %arg7[%select_n3A_186] : memref<7x!tpu.dma_semaphore, #tpu.memory_space<semaphore_mem>> -> memref<1x!tpu.dma_semaphore, #tpu.memory_space<semaphore_mem>>
        %dma_start3A_198 = tpu.memref_squeeze %dma_start3A_197 : memref<1x!tpu.dma_semaphore, #tpu.memory_space<semaphore_mem>> -> memref<!tpu.dma_semaphore, #tpu.memory_space<semaphore_mem>>
        tpu.enqueue_indirect_dma source(%dma_start3A_196 : memref<100000x128xf32, #tpu.memory_space<hbm>>) target(%dma_start3A_192 : memref<128x128xf32, #tpu.memory_space<vmem>>) offsets(%dma_start3A_193 : memref<128xi32, #tpu.memory_space<vmem>>) semaphore(%dma_start3A_198 : memref<!tpu.dma_semaphore, #tpu.memory_space<semaphore_mem>>)
      } else {
      }
      %mul3A_126 = arith.constant 128 : i32
      %mul3A_127 = arith.muli %scan3A_107, %mul3A_126 : i32
      %dma_wait3A_128 = arith.constant 0 : i32
      %dma_wait3A_129 = arith.constant 0 : i32
      %dma_wait3A_130 = tpu.memref_slice %arg6[%select_n3A_116, %dma_wait3A_128, %dma_wait3A_129] : memref<7x128x128xf32, #tpu.memory_space<vmem>> -> memref<1x128x128xf32, #tpu.memory_space<vmem>>
      %dma_wait3A_131 = tpu.memref_squeeze %dma_wait3A_130 : memref<1x128x128xf32, #tpu.memory_space<vmem>> -> memref<128x128xf32, #tpu.memory_space<vmem>>
      %dma_wait3A_132 = tpu.memref_slice %arg5[%mul3A_127] : memref<6400xi32, #tpu.memory_space<vmem>> -> memref<128xi32, #tpu.memory_space<vmem>>
      %dma_wait3A_133 = arith.constant 0 : i32
      %dma_wait3A_134 = arith.constant 0 : i32
      %dma_wait3A_135 = tpu.memref_slice %arg3[%dma_wait3A_133, %dma_wait3A_134] : memref<100000x128xf32, #tpu.memory_space<hbm>> -> memref<100000x128xf32, #tpu.memory_space<hbm>>
      %dma_wait3A_136 = tpu.memref_slice %arg7[%select_n3A_116] : memref<7x!tpu.dma_semaphore, #tpu.memory_space<semaphore_mem>> -> memref<1x!tpu.dma_semaphore, #tpu.memory_space<semaphore_mem>>
      %dma_wait3A_137 = tpu.memref_squeeze %dma_wait3A_136 : memref<1x!tpu.dma_semaphore, #tpu.memory_space<semaphore_mem>> -> memref<!tpu.dma_semaphore, #tpu.memory_space<semaphore_mem>>
      tpu.wait_indirect_dma semaphore(%dma_wait3A_137 : memref<!tpu.dma_semaphore, #tpu.memory_space<semaphore_mem>>) src(%dma_wait3A_135 : memref<100000x128xf32, #tpu.memory_space<hbm>>) dst(%dma_wait3A_131 : memref<128x128xf32, #tpu.memory_space<vmem>>)
      %mul3A_138 = arith.constant 128 : i32
      %mul3A_139 = arith.muli %scan3A_107, %mul3A_138 : i32
      %add3A_140 = arith.addi %mul3A_2, %mul3A_139 : i32
      %jit3A_141 = arith.constant 2 : i32
      %eq3A_142 = arith.constant 0 : i32
      %eq3A_143 = arith.cmpi eq, %jit3A_141, %eq3A_142 : i32
      %jit3A_144 = arith.constant 1 : i32
      %select_n3A_145 = arith.select %eq3A_143, %jit3A_144, %jit3A_141 : i32
      %rem3A_146 = arith.remsi %scan3A_107, %select_n3A_145 : i32
      %ne3A_147 = arith.constant 0 : i32
      %ne3A_148 = arith.cmpi ne, %rem3A_146, %ne3A_147 : i32
      %lt3A_149 = arith.constant 0 : i32
      %lt3A_150 = arith.cmpi slt, %rem3A_146, %lt3A_149 : i32
      %lt3A_151 = arith.constant 0 : i32
      %lt3A_152 = arith.cmpi slt, %select_n3A_145, %lt3A_151 : i32
      %ne3A_153 = arith.xori %lt3A_150, %lt3A_152 : i1
      %and3A_154 = arith.andi %ne3A_153, %ne3A_148 : i1
      %add3A_155 = arith.addi %rem3A_146, %select_n3A_145 : i32
      %select_n3A_156 = arith.select %and3A_154, %add3A_155, %rem3A_146 : i32
      %dma_start3A_157 = arith.constant 0 : i32
      %dma_start3A_158 = arith.constant 0 : i32
      %dma_start3A_159 = tpu.memref_slice %arg6[%select_n3A_116, %dma_start3A_157, %dma_start3A_158] : memref<7x128x128xf32, #tpu.memory_space<vmem>> -> memref<1x128x128xf32, #tpu.memory_space<vmem>>
      %dma_start3A_160 = tpu.memref_squeeze %dma_start3A_159 : memref<1x128x128xf32, #tpu.memory_space<vmem>> -> memref<128x128xf32, #tpu.memory_space<vmem>>
      %dma_start3A_161 = arith.constant 0 : i32
      %dma_start3A_162 = tpu.memref_slice %arg4[%add3A_140, %dma_start3A_161] : memref<204800x128xf32, #tpu.memory_space<hbm>> -> memref<128x128xf32, #tpu.memory_space<hbm>>
      %dma_start3A_163 = tpu.memref_slice %arg8[%select_n3A_156] : memref<2x!tpu.dma_semaphore, #tpu.memory_space<semaphore_mem>> -> memref<1x!tpu.dma_semaphore, #tpu.memory_space<semaphore_mem>>
      %dma_start3A_164 = tpu.memref_squeeze %dma_start3A_163 : memref<1x!tpu.dma_semaphore, #tpu.memory_space<semaphore_mem>> -> memref<!tpu.dma_semaphore, #tpu.memory_space<semaphore_mem>>
      %dma_start3A_165 = arith.constant 0 : i32
      %dma_start3A_166 = tpu.memref_slice %arg4[%add3A_140, %dma_start3A_165] : memref<204800x128xf32, #tpu.memory_space<hbm>> -> memref<128x128xf32, #tpu.memory_space<hbm>>
      %dma_start3A_167 = arith.constant 0 : i32
      %dma_start3A_168 = arith.constant 0 : i32
      %dma_start3A_169 = tpu.memref_slice %arg6[%select_n3A_116, %dma_start3A_167, %dma_start3A_168] : memref<7x128x128xf32, #tpu.memory_space<vmem>> -> memref<1x128x128xf32, #tpu.memory_space<vmem>>
      %dma_start3A_170 = tpu.memref_squeeze %dma_start3A_169 : memref<1x128x128xf32, #tpu.memory_space<vmem>> -> memref<128x128xf32, #tpu.memory_space<vmem>>
      tpu.enqueue_dma source(%dma_start3A_170 : memref<128x128xf32, #tpu.memory_space<vmem>>) target(%dma_start3A_166 : memref<128x128xf32, #tpu.memory_space<hbm>>) target_semaphore(%dma_start3A_164 : memref<!tpu.dma_semaphore, #tpu.memory_space<semaphore_mem>>)
    }
    %scan3A_71 = arith.constant 50 : i32
    %dma_wait3A = arith.constant 0 : i32
    %dma_wait3A_72 = arith.constant 0 : i32
    %dma_wait3A_73 = arith.constant 0 : i32
    %dma_wait3A_74 = arith.constant 0 : i32
    %dma_wait3A_75 = tpu.memref_slice %arg6[%dma_wait3A, %dma_wait3A_73, %dma_wait3A_74] : memref<7x128x128xf32, #tpu.memory_space<vmem>> -> memref<1x128x128xf32, #tpu.memory_space<vmem>>
    %dma_wait3A_76 = tpu.memref_squeeze %dma_wait3A_75 : memref<1x128x128xf32, #tpu.memory_space<vmem>> -> memref<128x128xf32, #tpu.memory_space<vmem>>
    %dma_wait3A_77 = arith.constant 0 : i32
    %dma_wait3A_78 = arith.constant 0 : i32
    %dma_wait3A_79 = tpu.memref_slice %arg4[%dma_wait3A_77, %dma_wait3A_78] : memref<204800x128xf32, #tpu.memory_space<hbm>> -> memref<128x128xf32, #tpu.memory_space<hbm>>
    %dma_wait3A_80 = tpu.memref_slice %arg8[%dma_wait3A_72] : memref<2x!tpu.dma_semaphore, #tpu.memory_space<semaphore_mem>> -> memref<1x!tpu.dma_semaphore, #tpu.memory_space<semaphore_mem>>
    %dma_wait3A_81 = tpu.memref_squeeze %dma_wait3A_80 : memref<1x!tpu.dma_semaphore, #tpu.memory_space<semaphore_mem>> -> memref<!tpu.dma_semaphore, #tpu.memory_space<semaphore_mem>>
    %dma_wait3A_82 = arith.constant 0 : i32
    %dma_wait3A_83 = arith.constant 0 : i32
    %dma_wait3A_84 = tpu.memref_slice %arg4[%dma_wait3A_82, %dma_wait3A_83] : memref<204800x128xf32, #tpu.memory_space<hbm>> -> memref<128x128xf32, #tpu.memory_space<hbm>>
    %dma_wait3A_85 = arith.constant 0 : i32
    %dma_wait3A_86 = arith.constant 0 : i32
    %dma_wait3A_87 = tpu.memref_slice %arg6[%dma_wait3A, %dma_wait3A_85, %dma_wait3A_86] : memref<7x128x128xf32, #tpu.memory_space<vmem>> -> memref<1x128x128xf32, #tpu.memory_space<vmem>>
    %dma_wait3A_88 = tpu.memref_squeeze %dma_wait3A_87 : memref<1x128x128xf32, #tpu.memory_space<vmem>> -> memref<128x128xf32, #tpu.memory_space<vmem>>
    tpu.wait_dma2 semaphore(%dma_wait3A_81 : memref<!tpu.dma_semaphore, #tpu.memory_space<semaphore_mem>>) src(%dma_wait3A_88 : memref<128x128xf32, #tpu.memory_space<vmem>>) dst(%dma_wait3A_84 : memref<128x128xf32, #tpu.memory_space<hbm>>)
    %dma_wait3A_89 = arith.constant 0 : i32
    %dma_wait3A_90 = arith.constant 1 : i32
    %dma_wait3A_91 = arith.constant 0 : i32
    %dma_wait3A_92 = arith.constant 0 : i32
    %dma_wait3A_93 = tpu.memref_slice %arg6[%dma_wait3A_89, %dma_wait3A_91, %dma_wait3A_92] : memref<7x128x128xf32, #tpu.memory_space<vmem>> -> memref<1x128x128xf32, #tpu.memory_space<vmem>>
    %dma_wait3A_94 = tpu.memref_squeeze %dma_wait3A_93 : memref<1x128x128xf32, #tpu.memory_space<vmem>> -> memref<128x128xf32, #tpu.memory_space<vmem>>
    %dma_wait3A_95 = arith.constant 0 : i32
    %dma_wait3A_96 = arith.constant 0 : i32
    %dma_wait3A_97 = tpu.memref_slice %arg4[%dma_wait3A_95, %dma_wait3A_96] : memref<204800x128xf32, #tpu.memory_space<hbm>> -> memref<128x128xf32, #tpu.memory_space<hbm>>
    %dma_wait3A_98 = tpu.memref_slice %arg8[%dma_wait3A_90] : memref<2x!tpu.dma_semaphore, #tpu.memory_space<semaphore_mem>> -> memref<1x!tpu.dma_semaphore, #tpu.memory_space<semaphore_mem>>
    %dma_wait3A_99 = tpu.memref_squeeze %dma_wait3A_98 : memref<1x!tpu.dma_semaphore, #tpu.memory_space<semaphore_mem>> -> memref<!tpu.dma_semaphore, #tpu.memory_space<semaphore_mem>>
    %dma_wait3A_100 = arith.constant 0 : i32
    %dma_wait3A_101 = arith.constant 0 : i32
    %dma_wait3A_102 = tpu.memref_slice %arg4[%dma_wait3A_100, %dma_wait3A_101] : memref<204800x128xf32, #tpu.memory_space<hbm>> -> memref<128x128xf32, #tpu.memory_space<hbm>>
    %dma_wait3A_103 = arith.constant 0 : i32
    %dma_wait3A_104 = arith.constant 0 : i32
    %dma_wait3A_105 = tpu.memref_slice %arg6[%dma_wait3A_89, %dma_wait3A_103, %dma_wait3A_104] : memref<7x128x128xf32, #tpu.memory_space<vmem>> -> memref<1x128x128xf32, #tpu.memory_space<vmem>>
    %dma_wait3A_106 = tpu.memref_squeeze %dma_wait3A_105 : memref<1x128x128xf32, #tpu.memory_space<vmem>> -> memref<128x128xf32, #tpu.memory_space<vmem>>
    tpu.wait_dma2 semaphore(%dma_wait3A_99 : memref<!tpu.dma_semaphore, #tpu.memory_space<semaphore_mem>>) src(%dma_wait3A_106 : memref<128x128xf32, #tpu.memory_space<vmem>>) dst(%dma_wait3A_102 : memref<128x128xf32, #tpu.memory_space<hbm>>)
    return
  }
}

</mosaic_0001>

<sc_bundles>
// kernel: kernel.3.cloned.1.call-start
scs
__scs_entry_jumppad:
0x0: {  	(pc) =	sbr.rel $0x88, $3  }
0x1: {  	(tag) =	ssettag $0x0;
	lr =	simm.s32 $0x1  }
0x2: {  	[smem:$0x3F9F] =	sst lr;
	_ =	strace $0xD0000000  }
0x3: {  	_ = 	snop  }
0x4: {  	_ = 	snop  }
0x5: {  	_ = 	snop  }
0x6: {  	_ = 	snop  }
0x7: {  	_ = 	snop  }
__scs_overlays_trampoline_lowered:
0x8: {  	[smem:$0x3FAE] =	sst s0  }
0x9: {  	[smem:$0x3FAF] =	sst s1  }
0xa: {  	[smem:$0x3FB0] =	sst s2  }
0xb: {  	[smem:$0x3FB1] =	sst s3  }
0xc: {  	[smem:$0x3FB2] =	sst s4  }
0xd: {  	[smem:$0x3FB3] =	sst s5  }
0xe: {  	[smem:$0x3FB4] =	sst s6  }
0xf: {  	[smem:$0x3FB5] =	sst s7  }
0x10: {  	[smem:$0x3FB6] =	sst s8  }
0x11: {  	[smem:$0x3FB7] =	sst s9;
	s0 =	simm.s32 @!p0 $0x0  }
0x12: {  	s1 =	sld [smem:$0x3F9D];
	s0 =	simm.s32 @p0 $0x1  }
0x13: {  	[smem:$0x3FB8] =	sst s0;
	s0 =	simm.s32 @!p1 $0x0  }
0x14: {  	s2 =	sld [smem:$0x3F9C];
	s0 =	simm.s32 @p1 $0x1  }
0x15: {  	[smem:$0x3FB9] =	sst s0;
	s0 =	simm.s32 @!p2 $0x0  }
0x16: {  	s3 =	sld [smem:$0x3FDB];
	s0 =	simm.s32 @p2 $0x1  }
0x17: {  	s4 =	simm.s32 $0x1BF5;
	[smem:$0x3FBB] =	sst s0  }
0x18: {  	s0 =	sld [smem:$0x3F9E];
	_ =	swait.ge [sflag:s4], $0x0  }
0x19: {  	s7 =	sld [smem:$0x3F9F]  }
0x1a: {  	s8 =	sadd.s32 $0xFFFFE003, lr  }
0x1b: {  	s9 =	sadd.s32 $0xFFFFFEF7, lr;
	s5 =	simm.s32 $0xFFFFFFFF;
	p2 =	slt.u32 s8, $0xFFFFF086  }
0x1c: {  	p1 =	slt.u32 s9, $0xF7A;
	s5 =	simm.s32 @!p2 $0x0  }
0x1d: {  	s5 =	simm.s32 @p1 $0x1;
	p0 =	seq.s32 s7, s2  }
0x1e: {  	s7 =	smul.u32 @!p0 $0xF7A, s2;
	p2 =	seq.s32 @!p0 s5, $0x0  }
0x1f: {  	s9 =	smul.u32 $0xF7A, s1;
	s8 =	simm.s32 @!p0 $0x1BF5;
	p2 =	por !p2, p0  }
0x20: {  	[sflag:s8] =	ssyncset.s32 @!p0 $0xFFFFF086;
	s6 =	sadd.s32 @!p0 s3, s7;
	s7 =	simm.s32 @!p0 $0x108  }
0x21: {  	s3 =	sadd.s32 s3, s9;
	s6 =	sadd.s32 @!p0 $0x88, s6;
	s7 =	simm.s32 @p2 $0x1082  }
0x22: {  	[simem:s7], [sflag:s8] =	dma.local @!p0 [hbm:s6], $0xF7A  }
0x23: {  	s9 =	sor.u32 $0xD0000000, s2;
	s6 =	simm.s32 $0x108;
	_ =	swait.ge @!p0 [sflag:s8], $0x0  }
0x24: {  	s3 =	sadd.s32 $0x88, s3;
	s6 =	simm.s32 @!p1 $0x1082;
	[sflag:s4] =	ssyncset.s32 $0xFFFFF086  }
0x25: {  	[simem:s6], [sflag:s4] =	dma.local [hbm:s3], $0xF7A  }
0x26: {  	[smem:$0x3F9F] =	sst s1;
	(tag) =	ssettag s2;
	_ =	strace s9  }
0x27: {  	s1 =	sld [smem:$0x3FAF]  }
0x28: {  	s2 =	sld [smem:$0x3FB0]  }
0x29: {  	s4 =	sld [smem:$0x3FB2]  }
0x2a: {  	p0 =	seq.s32 s5, $0x0;
	s5 =	sld [smem:$0x3FB3]  }
0x2b: {  	s6 =	sld [smem:$0x3FB4]  }
0x2c: {  	s7 =	sld [smem:$0x3FB5]  }
0x2d: {  	s3 =	simm.s32 $0x108;
	s8 =	sld [smem:$0x3FB6]  }
0x2e: {  	s3 =	simm.s32 @!p0 $0x1082;
	s9 =	sld [smem:$0x3FB7]  }
0x2f: {  	lr =	sadd.s32 s0, s3;
	s0 =	sld [smem:$0x3FAE]  }
0x30: {  	s3 =	sld [smem:$0x3FB1]  }
0x31: {  	[smem:$0x3FBA] =	sst s10  }
0x32: {  	s10 =	sld [smem:$0x3FB8];
	_ =	sdelay $0x3  }
0x33: {  	p0 =	seq.s32 s10, $0x1;
	s10 =	sld [smem:$0x3FBA];
	_ =	sdelay $0x3  }
0x34: {  	[smem:$0x3FBA] =	sst s10  }
0x35: {  	s10 =	sld [smem:$0x3FB9];
	_ =	sdelay $0x3  }
0x36: {  	p1 =	seq.s32 s10, $0x1;
	s10 =	sld [smem:$0x3FBA];
	_ =	sdelay $0x3  }
0x37: {  	[smem:$0x3FBA] =	sst s10  }
0x38: {  	s10 =	sld [smem:$0x3FBB]  }
0x39: {  	_ = 	snop;
	(pc) =	sbr.ind lr, $3  }
0x3a: {  	_ = 	snop  }
0x3b: {  	_ = 	snop  }
0x3c: {  	p2 =	seq.s32 s10, $0x1;
	s10 =	sld [smem:$0x3FBA]  }
0x3d: {  	_ =	shalt  }
0x3e: {  	_ =	shalt  }
0x3f: {  	_ =	shalt  }
0x40: {  	_ =	shalt  }
0x41: {  	_ =	shalt  }
0x42: {  	_ =	shalt  }
0x43: {  	_ =	shalt  }
0x44: {  	_ =	shalt  }
0x45: {  	_ =	shalt  }
0x46: {  	_ =	shalt  }
0x47: {  	_ =	shalt  }
0x48: {  	_ =	shalt  }
0x49: {  	_ =	shalt  }
0x4a: {  	_ =	shalt  }
0x4b: {  	_ =	shalt  }
0x4c: {  	_ =	shalt  }
0x4d: {  	_ =	shalt  }
0x4e: {  	_ =	shalt  }
0x4f: {  	_ =	shalt  }
0x50: {  	_ =	shalt  }
0x51: {  	_ =	shalt  }
0x52: {  	_ =	shalt  }
0x53: {  	_ =	shalt  }
0x54: {  	_ =	shalt  }
0x55: {  	_ =	shalt  }
0x56: {  	_ =	shalt  }
0x57: {  	_ =	shalt  }
0x58: {  	_ =	shalt  }
0x59: {  	_ =	shalt  }
0x5a: {  	_ =	shalt  }
0x5b: {  	_ =	shalt  }
0x5c: {  	_ =	shalt  }
0x5d: {  	_ =	shalt  }
0x5e: {  	_ =	shalt  }
0x5f: {  	_ =	shalt  }
0x60: {  	_ =	shalt  }
0x61: {  	_ =	shalt  }
0x62: {  	_ =	shalt  }
0x63: {  	_ =	shalt  }
0x64: {  	_ =	shalt  }
0x65: {  	_ =	shalt  }
0x66: {  	_ =	shalt  }
0x67: {  	_ =	shalt  }
0x68: {  	_ =	shalt  }
0x69: {  	_ =	shalt  }
0x6a: {  	_ =	shalt  }
0x6b: {  	_ =	shalt  }
0x6c: {  	_ =	shalt  }
0x6d: {  	_ =	shalt  }
0x6e: {  	_ =	shalt  }
0x6f: {  	_ =	shalt  }
0x70: {  	_ =	shalt  }
0x71: {  	_ =	shalt  }
0x72: {  	_ =	shalt  }
0x73: {  	_ =	shalt  }
0x74: {  	_ =	shalt  }
0x75: {  	_ =	shalt  }
0x76: {  	_ =	shalt  }
0x77: {  	_ =	shalt  }
0x78: {  	_ =	shalt  }
0x79: {  	_ =	shalt  }
0x7a: {  	_ =	shalt  }
0x7b: {  	_ =	shalt  }
0x7c: {  	_ =	shalt  }
0x7d: {  	_ =	shalt  }
0x7e: {  	_ =	shalt  }
0x7f: {  	_ =	shalt  }
0x80: {  	_ =	shalt  }
0x81: {  	_ =	shalt  }
0x82: {  	_ =	shalt  }
0x83: {  	_ =	shalt  }
0x84: {  	_ =	shalt  }
0x85: {  	_ =	shalt  }
0x86: {  	_ =	shalt  }
0x87: {  	_ =	shalt  }
.Lfunc_end0:
.L_simem_size_0:
called_computation_lowered:
.L_overlay_start_0:
0x88: {  	s2 =	sld [smem:$0x3FD9]  }
0x89: {  	s3 =	sld [smem:$0x3FFE];
	_ =	sdelay $0x1  }
0x8a: {  	s1 =	srdreg.scid  }
0x8b: {  	s0 =	sand.u32 $0x1, s1  }
0x8c: {  	s17 =	sshll.u32 s0, $0xA;
	s2 =	sadd.s32 s3, s2  }
0x8d: {  	s2 =	sadd.s32 s2, s17  }
0x8e: {  	[smem:$0x3FC6] =	sst s2  }
0x8f: {  	_ = 	snop  }
0x90: {  	s2 =	sld [smem:$0x3FC8]  }
0x91: {  	s18 =	sld [smem:$0x3FD0];
	(tm) =	ssettm $0x1  }
0x92: {  	s4 =	sld [smem:$0x3FFB];
	_ =	sdelay $0x3  }
0x93: {  	_ =	strace s4  }
0x94: {  	s4 =	sld [smem:$0x3FFC];
	_ =	sdelay $0x3  }
0x95: {  	_ =	strace s4  }
0x96: {  	s4 =	sld [smem:$0x3FFD];
	_ =	sdelay $0x3  }
0x97: {  	_ =	strace s4  }
0x98: {  	_ =	strace $0x8FFFFFFF  }
0x99: {  	s19 =	sld [smem:$0x3FDB];
	_ =	sdelay $0x1  }
0x9a: {  	s5 =	simm.s32 $_scs_section_size  }
0x9b: {  	s6 =	simm.s32 $_size__tile_overlayer_lowered;
	s7 =	simm.s32 $_tile_overlayer_lowered  }
0x9c: {  	s22 =	simm.s32 $0x1BFF;
	s21 =	sshll.u32 s7, $0x1;
	s4 =	sadd.s32 s5, s19  }
0x9d: {  	s8 =	simm.s32 $0x0;
	s20 =	sshll.u32 s6, $0x1;
	s6 =	sadd.s32 s21, s4  }
0x9e: {  	[timem:s8], [sflag:s22] =	dma.local [hbm:s6], s20  }
0x9f: {  	_ =	swait.ge [sflag:s22], s20  }
0xa0: {  	s5 =	ssub.s32 $0x0, s20;
	[sflag:s22] =	ssyncset.done $0x0  }
0xa1: {  	[sflag:s22] =	ssyncadd.s32 s5;
	_ =	sdelay $0x1  }
0xa2: {  	s23 =	simm.s32 $0x1B8B  }
0xa3: {  	_ =	swait.ge [sflag:s23], $0x1  }
0xa4: {  	[sflag:s23] =	ssyncset.done $0x0  }
0xa5: {  	s25 =	simm.s32 $0x1B8E;
	s24 =	sld [smem:$0x3FFE];
	[sflag:s23] =	ssyncadd.s32 $0xFFFFFFFF  }
0xa6: {  	s26 =	simm.s32 $execute0_lowered;
	[smem:$0x3FD2] =	sst s25  }
0xa7: {  	s6 =	sshll.u32 s26, $0x1;
	_ =	strace $0x80000046;
	[dreg:$0x1] =	wrdreg $0xFFFFFFFF  }
0xa8: {  	s28 =	simm.s32 $_size_execute0_lowered;
	s4 =	sadd.s32 s4, s6;
	[dreg:$0x0] =	wrdreg $0x0  }
0xa9: {  	s6 =	sshll.u32 s28, $0x1;
	[dreg:$0x2] =	wrdreg s4  }
0xaa: {  	[dreg:$0x3] =	wrdreg s6  }
0xab: {  	[dreg:$0x4] =	wrdreg $0xC0  }
0xac: {  	_ =	task [dreg:s8], $0x5FFFF  }
0xad: {  	[dreg:$0x1] =	wrdreg $0xFFFFFFFF  }
0xae: {  	[dreg:$0x0] =	wrdreg $0x60  }
0xaf: {  	[dreg:$0x2] =	wrdreg s24  }
0xb0: {  	[dreg:$0x3] =	wrdreg s2  }
0xb1: {  	[dreg:$0x4] =	wrdreg s18  }
0xb2: {  	[dreg:$0x5] =	wrdreg $0x9  }
0xb3: {  	_ =	task.clear_ibuf [dreg:s8], $0x6FFFF;
	_ =	strace $0x90000046  }
0xb4: {  	s29 =	simm.s32 $0x9;
	_ =	strace $0x80000048  }
0xb5: {  	_ =	swait.ge [sflag:s29], $0x1  }
0xb6: {  	[sflag:s29] =	ssyncadd.s32 $0xFFFFFFFF  }
0xb7: {  	_ =	strace $0x90000048  }
0xb8: {  	_ =	sfence  }
0xb9: {  	s30 =	sld [smem:$0x0];
	_ =	sdelay $0x2  }
0xba: {  	s31 =	sshll.u32 s1, $0xD;
	s1 =	sshrl.u32 s1, $0x2  }
0xbb: {  	s3 =	sand.u32 $0x4000, s31;
	s1 =	sadd.s32 s1, s30  }
0xbc: {  	s0 =	sor.u32 s3, s0;
	s1 =	sshll.u32 s1, $0x11  }
0xbd: {  	s0 =	sor.u32 s1, s0  }
0xbe: {  	s0 =	sadd.s32 $0x8F2B, s0  }
0xbf: {  	[sflag:s0] =	ssyncadd.remote.s32 $0x1  }
0xc0: {  	_ =	sfence.sel $0xFFFF  }
0xc1: {  	[dreg:$0x0] =	wrdreg $0xFFFFFFFF;
	(pc) =	sbr.abs _section_cstart, $3  }
0xc2: {  	[dreg:$0x1] =	wrdreg $0xFFFFFFFF  }
0xc3: {  	_ =	task.clear_ibuf [dreg:s8], $0x2FFFF;
	_ =	strace $0x9FFFFFFF  }
0xc4: {  	(tm) =	ssettm $0x7FFFFFFF  }
0xc5: {  	_ =	shalt  }
tec
execute0_lowered:
.L_overlay_start_1:
0x0: {  	(tag) =	ssettag $0x1  }
0x1: {  	s4 =	rddreg [dreg:$0x0]  }
0x2: {  	s1 =	srdreg.scid;
	s2 =	rddreg [dreg:$0x1]  }
0x3: {  	s0 =	stileid.u32;
	s6 =	rddreg [dreg:$0x2]  }
0x4: {  	s3 =	simm.s32 $0x0;
	s10 =	simm.s32 $0x5900;
	s11 =	simm.s32 $0x100  }
0x5: {  	s12 =	simm.s32 $0x9900;
	s13 =	simm.s32 $0x180;
	s14 =	simm.s32 $0xD900  }
0x6: {  	s15 =	simm.s32 $0x200;
	s16 =	simm.s32 $0x11900;
	s17 =	simm.s32 $0x8  }
0x7: {  	s5 =	sand.u32 $0x1, s1;
	s29 =	sshll.u32 s0, $0x1;
	s8 =	smul.u32 $0x190000, s0  }
0x8: {  	s18 =	simm.s32 $0x9;
	s1 =	sor.u32 s5, s29;
	s9 =	smul.u32 $0xC8000, s5  }
0x9: {  	s19 =	simm.s32 $0x0;
	[smem:$0x7FF] =	sst s3;
	s7 =	smul.u32 $0x320, s1  }
.Ltmp0:
0xa: {  	s5 =	ssub.s32 $0x2, s5;
	s1 =	rddreg [dreg:$0x3];
	(pc) =	sbr.rel .LBB2_1-.Ltmp0, $4  }
0xb: {  	_ =	strace $0x80000047;
	s30 =	sshrl.u32 s5, $0x1;
	s8 =	sadd.s32 s9, s8  }
0xc: {  	s5 =	ssub.s32 s5, s30;
	s9 =	simm.s32 $0x1900;
	s4 =	sadd.s32 s7, s4  }
0xd: {  	s31 =	sshrl.u32 s8, $0x3;
	s5 =	smax.u32 s5, $0x1;
	s7 =	simm.s32 $0xA  }
0xe: {  	s8 =	simm.s32 $0x80;
	s4 =	sadd.s32 $0x400, s4;
	s6 =	sadd.s32 s31, s6  }
.LBB2_5:
0xf: {  	s19 =	sadd.s32 $0x1, s19  }
0x10: {  	_ =	swait.ge [sflag:s17], $0x4000;
	p0 =	sne.s32 s19, s5  }
.Ltmp1:
0x11: {  	[sflag:s17] =	ssyncset.done $0x0;
	(pc) =	sbr.rel @!p0 .LBB2_6-.Ltmp1, $4  }
0x12: {  	[sflag:s17] =	ssyncadd.s32 $0xFFFFC000  }
0x13: {  	_ =	swait.ge [sflag:s18], $0x4000  }
0x14: {  	[sflag:s18] =	ssyncset.done $0x0  }
0x15: {  	[sflag:s18] =	ssyncadd.s32 $0xFFFFC000  }
.LBB2_1:
0x16: {  	[tilespmem:s3], [sflag:$0xA] =	stream.linear.gather [hbm4b:s4+s3], $0x1900, $0x38;
	[tilespmem:$0x1D900] =	vst v63  }
0x17: {  	_ =	swait.ge [sflag:s7], $0x1900  }
0x18: {  	[sflag:s7] =	ssyncset.done $0x0  }
0x19: {  	[sflag:s7] =	ssyncadd.s32 $0xFFFFE700  }
0x1a: {  	[tilespmem:s9], [sflag:$0x1] =	stream.indirect.gather [hbm4b:s2+s8], $0x80, s3, s8, $0xb8;
	[tilespmem:$0x1D900] =	vst v63  }
0x1b: {  	_ = 	snop  }
0x1c: {  	[tilespmem:s10], [sflag:$0x2] =	stream.indirect.gather [hbm4b:s2+s8], $0x80, s8, s8, $0xb8;
	[tilespmem:$0x1D900] =	vst v63  }
0x1d: {  	_ = 	snop  }
0x1e: {  	[tilespmem:s12], [sflag:$0x3] =	stream.indirect.gather [hbm4b:s2+s8], $0x80, s11, s8, $0xb8;
	[tilespmem:$0x1D900] =	vst v63  }
.Ltmp2:
0x1f: {  	_ = 	snop;
	(pc) =	sbr.rel .LBB2_2-.Ltmp2, $4  }
0x20: {  	_ = 	snop  }
0x21: {  	[tilespmem:s14], [sflag:$0x4] =	stream.indirect.gather [hbm4b:s2+s8], $0x80, s13, s8, $0xb8;
	[tilespmem:$0x1D900] =	vst v63  }
0x22: {  	s20 =	simm.s32 $0x280;
	s21 =	smov.u32 s6;
	s22 =	simm.s32 $0x0  }
0x23: {  	[tilespmem:s16], [sflag:$0x5] =	stream.indirect.gather [hbm4b:s2+s8], $0x80, s15, s8, $0xb8;
	[tilespmem:$0x1D900] =	vst v63  }
.LBB2_4:
0x24: {  	s24 =	smul.u32 $0x25, s22;
	_ =	sdelay $0x1  }
0x25: {  	s24 =	sshrl.u32 s24, $0x8  }
0x26: {  	s25 =	ssub.s32 s22, s24  }
0x27: {  	s25 =	sand.u32 $0xFE, s25  }
0x28: {  	s25 =	sshrl.u32 s25, $0x1  }
0x29: {  	s24 =	sadd.s32 s24, s25  }
0x2a: {  	s24 =	sand.u32 $0xFC, s24  }
0x2b: {  	s24 =	sshrl.u32 s24, $0x2  }
0x2c: {  	s24 =	smul.u32 $0x7, s24;
	_ =	sdelay $0x1  }
0x2d: {  	s24 =	ssub.s32 s22, s24  }
0x2e: {  	s22 =	sadd.s32 $0x1, s22;
	s24 =	sand.u32 $0xFF, s24  }
0x2f: {  	p0 =	sne.s32 s22, $0x32;
	s31 =	sadd.s32 $0x1, s24  }
.Ltmp3:
0x30: {  	_ =	swait.ge [sflag:s31], $0x4000;
	(pc) =	sbr.rel @!p0 .LBB2_5-.Ltmp3, $4  }
0x31: {  	s24 =	sshll.u32 s24, $0xE;
	[sflag:s31] =	ssyncset.done $0x0  }
0x32: {  	s23 =	sadd.s32 $0x8, s23;
	s24 =	sor.u32 $0x1900, s24;
	[sflag:s31] =	ssyncadd.s32 $0xFFFFC000  }
0x33: {  	[hbm4b:s21+s3] =	stream.linear.scatter [tilespmem:s24], [sflag:s23], $0x4000, $0x38;
	[tilespmem:$0x1D900] =	vst v63  }
0x34: {  	s20 =	sadd.s32 $0x80, s20;
	s21 =	sadd.s32 $0x800, s21  }
.LBB2_2:
0x35: {  	p0 =	slt.u32 s22, $0x2  }
0x36: {  	p1 =	sgt.u32 @!p0 s22, $0x2C  }
0x37: {  	p1 =	por p0, !p1  }
.Ltmp4:
0x38: {  	s23 =	sand.u32 @!p0 $0x1, s22;
	(pc) =	sbr.rel @!p1 .LBB2_4-.Ltmp4, $4  }
0x39: {  	s24 =	sor.u32 @!p0 $0x8, s23  }
0x3a: {  	_ =	swait.ge @!p0 [sflag:s24], $0x4000  }
0x3b: {  	[sflag:s24] =	ssyncset.done @!p0 $0x0  }
0x3c: {  	[sflag:s24] =	ssyncadd.s32 @!p0 $0xFFFFC000  }
0x3d: {  	s24 =	sadd.s32 $0x5, s22  }
0x3e: {  	s25 =	smul.u32 $0x25, s24;
	_ =	sdelay $0x1  }
0x3f: {  	s25 =	sshrl.u32 s25, $0x8  }
0x40: {  	s26 =	ssub.s32 s24, s25  }
0x41: {  	s26 =	sand.u32 $0xFE, s26  }
0x42: {  	s26 =	sshrl.u32 s26, $0x1  }
0x43: {  	s25 =	sadd.s32 s25, s26  }
0x44: {  	s25 =	sand.u32 $0xFC, s25  }
0x45: {  	s25 =	sshrl.u32 s25, $0x2  }
0x46: {  	s25 =	smul.u32 $0x7, s25;
	_ =	sdelay $0x1  }
.Ltmp5:
0x47: {  	s24 =	ssub.s32 s24, s25;
	(pc) =	sbr.rel .LBB2_4-.Ltmp5, $4  }
0x48: {  	s24 =	sand.u32 $0xFF, s24  }
0x49: {  	s31 =	sshll.u32 s24, $0xE  }
0x4a: {  	s23 =	smov.u32 @p0 s22;
	s24 =	sadd.s32 $0x1, s24;
	s25 =	sor.u32 $0x1900, s31  }
0x4b: {  	[tilespmem:s25], [sflag:s24] =	stream.indirect.gather [hbm4b:s2+s8], $0x80, s20, s8, $0xb8;
	[tilespmem:$0x1D900] =	vst v63  }
.LBB2_6:
0x4c: {  	_ =	sfence.sel $0x180000  }
0x4d: {  	[bflag:$0x0] =	sbarrier.arrive $0xFFFF  }
0x4e: {  	p0 =	sne.s32 s0, $0x0;
	_ =	strace $0x90000047  }
0x4f: {  	s0 =	sadd.s32 @!p0 $0x100000, s1;
	[bflag:$0x2] =	sbarrier.arrive $0xFFFF  }
0x50: {  	[sflag:s0] =	ssyncadd.tile.s32 @!p0 $0x1;
	_ =	shalt  }
.Lfunc_end2:
_tile_overlayer_lowered:
.L_overlay_start_2:
0x51: {  	(tag) =	ssettag $0x2  }
0x52: {  	s0 =	rddreg [dreg:$0x0];
	s2 =	stileid.u32  }
0x53: {  	s1 =	rddreg [dreg:$0x1];
	p0 =	sne.s32 s2, $0x0  }
0x54: {  	s3 =	rddreg [dreg:$0x2];
	[bflag:$0x3] =	sbarrier.arrive $0xFFFF;
	s2 =	simm.s32 @!p0 $0x1C0A  }
0x55: {  	[timem:s3], [sflag:s2] =	dma.local @!p0 [hbm:s0], s1  }
0x56: {  	s0 =	simm.s32 @!p0 $0xA  }
0x57: {  	_ =	swait.ge @!p0 [sflag:s0], s1  }
0x58: {  	s1 =	ssub.s32 @!p0 $0x0, s1;
	[sflag:s0] =	ssyncset.done @!p0 $0x0  }
0x59: {  	[sflag:s0] =	ssyncadd.s32 @!p0 s1  }
0x5a: {  	[bflag:$0x3] =	sbarrier.arrive $0xFFFF  }
0x5b: {  	_ =	shalt  }

</sc_bundles>
